<compile_context>
chip_gen: v7x
topology: tpu7x:2x2x1
jax: 0.10.2.dev20260603
libtpu: 0.0.44.dev20260713+nightly
codegen_flags: <defaults>
</compile_context>

<pallas_src>
import functools

import jax
import jax.numpy as jnp
from jax import lax
from jax.experimental import pallas as pl
from jax.experimental.pallas import tpu as pltpu
from jax.experimental.pallas import tpu_sc as plsc

L = 16384
D = 32
NC = 2
NS = 16
NW = NC * NS
BPW = L // NW

_MESH = plsc.VectorSubcoreMesh(core_axis_name="c", subcore_axis_name="s")
_NOTC = pltpu.CompilerParams(use_tc_tiling_on_sc=False)


def _band_body(bands, idx_hs, tbl_hs, out_h, ivs, rvs, sis, sgs, sws):
    wid = lax.axis_index("s") * NC + lax.axis_index("c")
    base = wid * BPW
    n = len(bands)
    ic = [pltpu.async_copy(idx_hs[k].at[pl.ds(base, BPW)], ivs[k], sis[k])
          for k in range(n)]
    gc = []
    for k in range(n):
        ic[k].wait()
        gc.append(pltpu.async_copy(tbl_hs[k].at[ivs[k]], rvs[k], sgs[k]))
    wc = []
    for k in range(n):
        gc[k].wait()
        wc.append(pltpu.async_copy(
            rvs[k], out_h.at[pl.ds(base, BPW), pl.ds(bands[k] * D, D)],
            sws[k]))
    for k in range(n):
        wc[k].wait()


def _make_band_kernel(bands):
    n = len(bands)
    scratch = (
        [pltpu.VMEM((BPW,), jnp.int32)] * n
        + [pltpu.VMEM((BPW, D), jnp.float32)] * n
        + [pltpu.SemaphoreType.DMA] * (3 * n)
    )

    @functools.partial(
        pl.kernel,
        mesh=_MESH,
        out_type=(),
        scratch_types=scratch,
        compiler_params=_NOTC,
        name=f"hgnn_bands_{'_'.join(map(str, bands))}",
    )
    def band_kernel(*args):
        idx_hs = args[:n]
        tbl_hs = args[n:2 * n]
        out_h = args[2 * n]
        rest = args[2 * n + 1:]
        ivs = rest[:n]
        rvs = rest[n:2 * n]
        sis = rest[2 * n:3 * n]
        sgs = rest[3 * n:4 * n]
        sws = rest[4 * n:5 * n]
        _band_body(bands, idx_hs, tbl_hs, out_h, ivs, rvs, sis, sgs, sws)

    return band_kernel


_k_small = _make_band_kernel((0, 2))
_k_big1 = _make_band_kernel((1,))
_k_big3 = _make_band_kernel((3,))


def kernel(dp, p, dl, l, Edp_emb, Eddp_emb, Edl_emb, Eddl_emb):
    dp = dp.astype(jnp.int32)
    p = p.astype(jnp.int32)
    dl = dl.astype(jnp.int32)
    l = l.astype(jnp.int32)
    out_ref = jax.new_ref(jnp.empty((L, 4 * D), jnp.float32))
    _k_small(dp, dl, Edp_emb, Edl_emb, out_ref)
    _k_big1(p, Eddp_emb, out_ref)
    _k_big3(l, Eddl_emb, out_ref)
    return out_ref[...].reshape(1, L, 4 * D)

# --- scband reference (transcript-rebuilt; emitter-appended) ---
"""Pipeline reference for scband-hgnn-54915451847292 (READ-ONLY COPY).

The authoritative reference and input builder live on the scoring server;
editing this copy changes nothing except your own understanding.
"""

import jax, jax.numpy as jnp
import numpy as np

L = 16384
DIFF_LEVER = 100
NUM_P = 100000
NUM_C = 100000
DP = 32
DDP = 32
DL = 32
DDL = 32


def setup_inputs(seed: int = 0) -> dict:
    key = jax.random.key(seed)
    k1, k2, k3, k4, k5, k6, k7, k8 = jax.random.split(key, 8)
    dp = jax.random.randint(k1, (L,), 0, DIFF_LEVER, dtype=jnp.int64) if jax.config.jax_enable_x64 else jax.random.randint(k1, (L,), 0, DIFF_LEVER, dtype=jnp.int32)
    p = jax.random.randint(k2, (L,), 0, NUM_P + 1, dtype=jnp.int32)
    dl = jax.random.randint(k3, (L,), 0, DIFF_LEVER, dtype=jnp.int32)
    l = jax.random.randint(k4, (L,), 0, NUM_C + 1, dtype=jnp.int32)
    Edp_emb = jax.random.normal(k5, (DIFF_LEVER, DP), dtype=jnp.float32)
    Eddp_emb = jax.random.normal(k6, (NUM_P + 1, DDP), dtype=jnp.float32)
    Edl_emb = jax.random.normal(k7, (DIFF_LEVER, DL), dtype=jnp.float32)
    Eddl_emb = jax.random.normal(k8, (NUM_C + 1, DDL), dtype=jnp.float32)
    return {"dp": dp, "p": p, "dl": dl, "l": l,
            "Edp_emb": Edp_emb, "Eddp_emb": Eddp_emb,
            "Edl_emb": Edl_emb, "Eddl_emb": Eddl_emb}


def reference(dp, p, dl, l, Edp_emb, Eddp_emb, Edl_emb, Eddl_emb):
    # unsqueeze(0) to add batch dim, as in torch forward
    dp = dp[None, :]
    p = p[None, :]
    dl = dl[None, :]
    l = l[None, :]
    # embedding lookups (gather rows)
    Edp = jnp.take(Edp_emb, dp, axis=0)
    Eddp = jnp.take(Eddp_emb, p, axis=0)
    Edl = jnp.take(Edl_emb, dl, axis=0)
    Eddl = jnp.take(Eddl_emb, l, axis=0)
    xp = jnp.concatenate((Edp, Eddp, Edl, Eddl), axis=2)
    return xp

if __name__ == "__main__":
    import jax
    _d = setup_inputs()
    print(jax.jit(kernel)(*tuple(_d.values())))

</pallas_src>

<mosaic_0001>
#map = affine_map<(d0, d1) -> (0)>
#map1 = affine_map<(d0, d1) -> (0, 0)>
module attributes {stable_mosaic.version = 14 : i64} {
  func.func @new_body(%arg0: i32, %arg1: i32, %arg2: memref<16384xi32, #tpu.memory_space<hbm>>, %arg3: memref<16384xi32, #tpu.memory_space<hbm>>, %arg4: memref<100x32xf32, #tpu.memory_space<hbm>>, %arg5: memref<100x32xf32, #tpu.memory_space<hbm>>, %arg6: memref<16384x128xf32, #tpu.memory_space<hbm>>, %arg7: memref<16384x128xf32, #tpu.memory_space<hbm>>, %arg8: memref<512xi32, #tpu.memory_space<vmem>>, %arg9: memref<512xi32, #tpu.memory_space<vmem>>, %arg10: memref<512x32xf32, #tpu.memory_space<vmem>>, %arg11: memref<512x32xf32, #tpu.memory_space<vmem>>, %arg12: memref<!tpu.dma_semaphore, #tpu.memory_space<semaphore_mem>>, %arg13: memref<!tpu.dma_semaphore, #tpu.memory_space<semaphore_mem>>, %arg14: memref<!tpu.dma_semaphore, #tpu.memory_space<semaphore_mem>>, %arg15: memref<!tpu.dma_semaphore, #tpu.memory_space<semaphore_mem>>, %arg16: memref<!tpu.dma_semaphore, #tpu.memory_space<semaphore_mem>>, %arg17: memref<!tpu.dma_semaphore, #tpu.memory_space<semaphore_mem>>) attributes {dimension_semantics = [#tpu.dimension_semantics<core_parallel>, #tpu.dimension_semantics<subcore_parallel>], iteration_bounds = array<i64: 2, 16>, scalar_prefetch = 0 : i64, scratch_operands = 10 : i64, tpu.core_type = #tpu.core_type<sc_vector_subcore>, window_params = [{transform_indices = #map}, {transform_indices = #map}, {transform_indices = #map1}, {transform_indices = #map1}, {transform_indices = #map1}, {transform_indices = #map1}]} {
    %mul3A = arith.constant 2 : i32
    %mul3A_0 = arith.muli %arg1, %mul3A : i32
    %add3A = arith.addi %mul3A_0, %arg0 : i32
    %mul3A_1 = arith.constant 512 : i32
    %mul3A_2 = arith.muli %add3A, %mul3A_1 : i32
    %dma_start3A = tpu.memref_slice %arg2[%mul3A_2] : memref<16384xi32, #tpu.memory_space<hbm>> -> memref<512xi32, #tpu.memory_space<hbm>>
    %dma_start3A_3 = tpu.memref_slice %arg2[%mul3A_2] : memref<16384xi32, #tpu.memory_space<hbm>> -> memref<512xi32, #tpu.memory_space<hbm>>
    tpu.enqueue_dma source(%dma_start3A_3 : memref<512xi32, #tpu.memory_space<hbm>>) target(%arg8 : memref<512xi32, #tpu.memory_space<vmem>>) target_semaphore(%arg12 : memref<!tpu.dma_semaphore, #tpu.memory_space<semaphore_mem>>)
    %dma_start3A_4 = tpu.memref_slice %arg3[%mul3A_2] : memref<16384xi32, #tpu.memory_space<hbm>> -> memref<512xi32, #tpu.memory_space<hbm>>
    %dma_start3A_5 = tpu.memref_slice %arg3[%mul3A_2] : memref<16384xi32, #tpu.memory_space<hbm>> -> memref<512xi32, #tpu.memory_space<hbm>>
    tpu.enqueue_dma source(%dma_start3A_5 : memref<512xi32, #tpu.memory_space<hbm>>) target(%arg9 : memref<512xi32, #tpu.memory_space<vmem>>) target_semaphore(%arg13 : memref<!tpu.dma_semaphore, #tpu.memory_space<semaphore_mem>>)
    %dma_wait3A = tpu.memref_slice %arg2[%mul3A_2] : memref<16384xi32, #tpu.memory_space<hbm>> -> memref<512xi32, #tpu.memory_space<hbm>>
    %dma_wait3A_6 = tpu.memref_slice %arg2[%mul3A_2] : memref<16384xi32, #tpu.memory_space<hbm>> -> memref<512xi32, #tpu.memory_space<hbm>>
    tpu.wait_dma2 semaphore(%arg12 : memref<!tpu.dma_semaphore, #tpu.memory_space<semaphore_mem>>) src(%dma_wait3A_6 : memref<512xi32, #tpu.memory_space<hbm>>) dst(%arg8 : memref<512xi32, #tpu.memory_space<vmem>>)
    %dma_start3A_7 = arith.constant 0 : i32
    %dma_start3A_8 = arith.constant 0 : i32
    %dma_start3A_9 = tpu.memref_slice %arg4[%dma_start3A_7, %dma_start3A_8] : memref<100x32xf32, #tpu.memory_space<hbm>> -> memref<100x32xf32, #tpu.memory_space<hbm>>
    tpu.enqueue_indirect_dma source(%dma_start3A_9 : memref<100x32xf32, #tpu.memory_space<hbm>>) target(%arg10 : memref<512x32xf32, #tpu.memory_space<vmem>>) offsets(%arg8 : memref<512xi32, #tpu.memory_space<vmem>>) semaphore(%arg14 : memref<!tpu.dma_semaphore, #tpu.memory_space<semaphore_mem>>)
    %dma_wait3A_10 = tpu.memref_slice %arg3[%mul3A_2] : memref<16384xi32, #tpu.memory_space<hbm>> -> memref<512xi32, #tpu.memory_space<hbm>>
    %dma_wait3A_11 = tpu.memref_slice %arg3[%mul3A_2] : memref<16384xi32, #tpu.memory_space<hbm>> -> memref<512xi32, #tpu.memory_space<hbm>>
    tpu.wait_dma2 semaphore(%arg13 : memref<!tpu.dma_semaphore, #tpu.memory_space<semaphore_mem>>) src(%dma_wait3A_11 : memref<512xi32, #tpu.memory_space<hbm>>) dst(%arg9 : memref<512xi32, #tpu.memory_space<vmem>>)
    %dma_start3A_12 = arith.constant 0 : i32
    %dma_start3A_13 = arith.constant 0 : i32
    %dma_start3A_14 = tpu.memref_slice %arg5[%dma_start3A_12, %dma_start3A_13] : memref<100x32xf32, #tpu.memory_space<hbm>> -> memref<100x32xf32, #tpu.memory_space<hbm>>
    tpu.enqueue_indirect_dma source(%dma_start3A_14 : memref<100x32xf32, #tpu.memory_space<hbm>>) target(%arg11 : memref<512x32xf32, #tpu.memory_space<vmem>>) offsets(%arg9 : memref<512xi32, #tpu.memory_space<vmem>>) semaphore(%arg15 : memref<!tpu.dma_semaphore, #tpu.memory_space<semaphore_mem>>)
    %dma_wait3A_15 = arith.constant 0 : i32
    %dma_wait3A_16 = arith.constant 0 : i32
    %dma_wait3A_17 = tpu.memref_slice %arg4[%dma_wait3A_15, %dma_wait3A_16] : memref<100x32xf32, #tpu.memory_space<hbm>> -> memref<100x32xf32, #tpu.memory_space<hbm>>
    tpu.wait_indirect_dma semaphore(%arg14 : memref<!tpu.dma_semaphore, #tpu.memory_space<semaphore_mem>>) src(%dma_wait3A_17 : memref<100x32xf32, #tpu.memory_space<hbm>>) dst(%arg10 : memref<512x32xf32, #tpu.memory_space<vmem>>)
    %dma_start3A_18 = arith.constant 0 : i32
    %dma_start3A_19 = tpu.memref_slice %arg6[%mul3A_2, %dma_start3A_18] : memref<16384x128xf32, #tpu.memory_space<hbm>> -> memref<512x32xf32, #tpu.memory_space<hbm>>
    %dma_start3A_20 = arith.constant 0 : i32
    %dma_start3A_21 = tpu.memref_slice %arg6[%mul3A_2, %dma_start3A_20] : memref<16384x128xf32, #tpu.memory_space<hbm>> -> memref<512x32xf32, #tpu.memory_space<hbm>>
    tpu.enqueue_dma source(%arg10 : memref<512x32xf32, #tpu.memory_space<vmem>>) target(%dma_start3A_21 : memref<512x32xf32, #tpu.memory_space<hbm>>) target_semaphore(%arg16 : memref<!tpu.dma_semaphore, #tpu.memory_space<semaphore_mem>>)
    %dma_wait3A_22 = arith.constant 0 : i32
    %dma_wait3A_23 = arith.constant 0 : i32
    %dma_wait3A_24 = tpu.memref_slice %arg5[%dma_wait3A_22, %dma_wait3A_23] : memref<100x32xf32, #tpu.memory_space<hbm>> -> memref<100x32xf32, #tpu.memory_space<hbm>>
    tpu.wait_indirect_dma semaphore(%arg15 : memref<!tpu.dma_semaphore, #tpu.memory_space<semaphore_mem>>) src(%dma_wait3A_24 : memref<100x32xf32, #tpu.memory_space<hbm>>) dst(%arg11 : memref<512x32xf32, #tpu.memory_space<vmem>>)
    %dma_start3A_25 = arith.constant 64 : i32
    %dma_start3A_26 = tpu.memref_slice %arg6[%mul3A_2, %dma_start3A_25] : memref<16384x128xf32, #tpu.memory_space<hbm>> -> memref<512x32xf32, #tpu.memory_space<hbm>>
    %dma_start3A_27 = arith.constant 64 : i32
    %dma_start3A_28 = tpu.memref_slice %arg6[%mul3A_2, %dma_start3A_27] : memref<16384x128xf32, #tpu.memory_space<hbm>> -> memref<512x32xf32, #tpu.memory_space<hbm>>
    tpu.enqueue_dma source(%arg11 : memref<512x32xf32, #tpu.memory_space<vmem>>) target(%dma_start3A_28 : memref<512x32xf32, #tpu.memory_space<hbm>>) target_semaphore(%arg17 : memref<!tpu.dma_semaphore, #tpu.memory_space<semaphore_mem>>)
    %dma_wait3A_29 = arith.constant 0 : i32
    %dma_wait3A_30 = tpu.memref_slice %arg6[%mul3A_2, %dma_wait3A_29] : memref<16384x128xf32, #tpu.memory_space<hbm>> -> memref<512x32xf32, #tpu.memory_space<hbm>>
    %dma_wait3A_31 = arith.constant 0 : i32
    %dma_wait3A_32 = tpu.memref_slice %arg6[%mul3A_2, %dma_wait3A_31] : memref<16384x128xf32, #tpu.memory_space<hbm>> -> memref<512x32xf32, #tpu.memory_space<hbm>>
    tpu.wait_dma2 semaphore(%arg16 : memref<!tpu.dma_semaphore, #tpu.memory_space<semaphore_mem>>) src(%arg10 : memref<512x32xf32, #tpu.memory_space<vmem>>) dst(%dma_wait3A_32 : memref<512x32xf32, #tpu.memory_space<hbm>>)
    %dma_wait3A_33 = arith.constant 64 : i32
    %dma_wait3A_34 = tpu.memref_slice %arg6[%mul3A_2, %dma_wait3A_33] : memref<16384x128xf32, #tpu.memory_space<hbm>> -> memref<512x32xf32, #tpu.memory_space<hbm>>
    %dma_wait3A_35 = arith.constant 64 : i32
    %dma_wait3A_36 = tpu.memref_slice %arg6[%mul3A_2, %dma_wait3A_35] : memref<16384x128xf32, #tpu.memory_space<hbm>> -> memref<512x32xf32, #tpu.memory_space<hbm>>
    tpu.wait_dma2 semaphore(%arg17 : memref<!tpu.dma_semaphore, #tpu.memory_space<semaphore_mem>>) src(%arg11 : memref<512x32xf32, #tpu.memory_space<vmem>>) dst(%dma_wait3A_36 : memref<512x32xf32, #tpu.memory_space<hbm>>)
    return
  }
}

#map = affine_map<(d0, d1) -> (0)>
#map1 = affine_map<(d0, d1) -> (0, 0)>
module attributes {stable_mosaic.version = 14 : i64} {
  func.func @new_body(%arg0: i32, %arg1: i32, %arg2: memref<16384xi32, #tpu.memory_space<hbm>>, %arg3: memref<100001x32xf32, #tpu.memory_space<hbm>>, %arg4: memref<16384x128xf32, #tpu.memory_space<hbm>>, %arg5: memref<16384x128xf32, #tpu.memory_space<hbm>>, %arg6: memref<512xi32, #tpu.memory_space<vmem>>, %arg7: memref<512x32xf32, #tpu.memory_space<vmem>>, %arg8: memref<!tpu.dma_semaphore, #tpu.memory_space<semaphore_mem>>, %arg9: memref<!tpu.dma_semaphore, #tpu.memory_space<semaphore_mem>>, %arg10: memref<!tpu.dma_semaphore, #tpu.memory_space<semaphore_mem>>) attributes {dimension_semantics = [#tpu.dimension_semantics<core_parallel>, #tpu.dimension_semantics<subcore_parallel>], iteration_bounds = array<i64: 2, 16>, scalar_prefetch = 0 : i64, scratch_operands = 5 : i64, tpu.core_type = #tpu.core_type<sc_vector_subcore>, window_params = [{transform_indices = #map}, {transform_indices = #map1}, {transform_indices = #map1}, {transform_indices = #map1}]} {
    %mul3A = arith.constant 2 : i32
    %mul3A_0 = arith.muli %arg1, %mul3A : i32
    %add3A = arith.addi %mul3A_0, %arg0 : i32
    %mul3A_1 = arith.constant 512 : i32
    %mul3A_2 = arith.muli %add3A, %mul3A_1 : i32
    %dma_start3A = tpu.memref_slice %arg2[%mul3A_2] : memref<16384xi32, #tpu.memory_space<hbm>> -> memref<512xi32, #tpu.memory_space<hbm>>
    %dma_start3A_3 = tpu.memref_slice %arg2[%mul3A_2] : memref<16384xi32, #tpu.memory_space<hbm>> -> memref<512xi32, #tpu.memory_space<hbm>>
    tpu.enqueue_dma source(%dma_start3A_3 : memref<512xi32, #tpu.memory_space<hbm>>) target(%arg6 : memref<512xi32, #tpu.memory_space<vmem>>) target_semaphore(%arg8 : memref<!tpu.dma_semaphore, #tpu.memory_space<semaphore_mem>>)
    %dma_wait3A = tpu.memref_slice %arg2[%mul3A_2] : memref<16384xi32, #tpu.memory_space<hbm>> -> memref<512xi32, #tpu.memory_space<hbm>>
    %dma_wait3A_4 = tpu.memref_slice %arg2[%mul3A_2] : memref<16384xi32, #tpu.memory_space<hbm>> -> memref<512xi32, #tpu.memory_space<hbm>>
    tpu.wait_dma2 semaphore(%arg8 : memref<!tpu.dma_semaphore, #tpu.memory_space<semaphore_mem>>) src(%dma_wait3A_4 : memref<512xi32, #tpu.memory_space<hbm>>) dst(%arg6 : memref<512xi32, #tpu.memory_space<vmem>>)
    %dma_start3A_5 = arith.constant 0 : i32
    %dma_start3A_6 = arith.constant 0 : i32
    %dma_start3A_7 = tpu.memref_slice %arg3[%dma_start3A_5, %dma_start3A_6] : memref<100001x32xf32, #tpu.memory_space<hbm>> -> memref<100001x32xf32, #tpu.memory_space<hbm>>
    tpu.enqueue_indirect_dma source(%dma_start3A_7 : memref<100001x32xf32, #tpu.memory_space<hbm>>) target(%arg7 : memref<512x32xf32, #tpu.memory_space<vmem>>) offsets(%arg6 : memref<512xi32, #tpu.memory_space<vmem>>) semaphore(%arg9 : memref<!tpu.dma_semaphore, #tpu.memory_space<semaphore_mem>>)
    %dma_wait3A_8 = arith.constant 0 : i32
    %dma_wait3A_9 = arith.constant 0 : i32
    %dma_wait3A_10 = tpu.memref_slice %arg3[%dma_wait3A_8, %dma_wait3A_9] : memref<100001x32xf32, #tpu.memory_space<hbm>> -> memref<100001x32xf32, #tpu.memory_space<hbm>>
    tpu.wait_indirect_dma semaphore(%arg9 : memref<!tpu.dma_semaphore, #tpu.memory_space<semaphore_mem>>) src(%dma_wait3A_10 : memref<100001x32xf32, #tpu.memory_space<hbm>>) dst(%arg7 : memref<512x32xf32, #tpu.memory_space<vmem>>)
    %dma_start3A_11 = arith.constant 96 : i32
    %dma_start3A_12 = tpu.memref_slice %arg4[%mul3A_2, %dma_start3A_11] : memref<16384x128xf32, #tpu.memory_space<hbm>> -> memref<512x32xf32, #tpu.memory_space<hbm>>
    %dma_start3A_13 = arith.constant 96 : i32
    %dma_start3A_14 = tpu.memref_slice %arg4[%mul3A_2, %dma_start3A_13] : memref<16384x128xf32, #tpu.memory_space<hbm>> -> memref<512x32xf32, #tpu.memory_space<hbm>>
    tpu.enqueue_dma source(%arg7 : memref<512x32xf32, #tpu.memory_space<vmem>>) target(%dma_start3A_14 : memref<512x32xf32, #tpu.memory_space<hbm>>) target_semaphore(%arg10 : memref<!tpu.dma_semaphore, #tpu.memory_space<semaphore_mem>>)
    %dma_wait3A_15 = arith.constant 96 : i32
    %dma_wait3A_16 = tpu.memref_slice %arg4[%mul3A_2, %dma_wait3A_15] : memref<16384x128xf32, #tpu.memory_space<hbm>> -> memref<512x32xf32, #tpu.memory_space<hbm>>
    %dma_wait3A_17 = arith.constant 96 : i32
    %dma_wait3A_18 = tpu.memref_slice %arg4[%mul3A_2, %dma_wait3A_17] : memref<16384x128xf32, #tpu.memory_space<hbm>> -> memref<512x32xf32, #tpu.memory_space<hbm>>
    tpu.wait_dma2 semaphore(%arg10 : memref<!tpu.dma_semaphore, #tpu.memory_space<semaphore_mem>>) src(%arg7 : memref<512x32xf32, #tpu.memory_space<vmem>>) dst(%dma_wait3A_18 : memref<512x32xf32, #tpu.memory_space<hbm>>)
    return
  }
}

#map = affine_map<(d0, d1) -> (0)>
#map1 = affine_map<(d0, d1) -> (0, 0)>
module attributes {stable_mosaic.version = 14 : i64} {
  func.func @new_body(%arg0: i32, %arg1: i32, %arg2: memref<16384xi32, #tpu.memory_space<hbm>>, %arg3: memref<100001x32xf32, #tpu.memory_space<hbm>>, %arg4: memref<16384x128xf32, #tpu.memory_space<hbm>>, %arg5: memref<16384x128xf32, #tpu.memory_space<hbm>>, %arg6: memref<512xi32, #tpu.memory_space<vmem>>, %arg7: memref<512x32xf32, #tpu.memory_space<vmem>>, %arg8: memref<!tpu.dma_semaphore, #tpu.memory_space<semaphore_mem>>, %arg9: memref<!tpu.dma_semaphore, #tpu.memory_space<semaphore_mem>>, %arg10: memref<!tpu.dma_semaphore, #tpu.memory_space<semaphore_mem>>) attributes {dimension_semantics = [#tpu.dimension_semantics<core_parallel>, #tpu.dimension_semantics<subcore_parallel>], iteration_bounds = array<i64: 2, 16>, scalar_prefetch = 0 : i64, scratch_operands = 5 : i64, tpu.core_type = #tpu.core_type<sc_vector_subcore>, window_params = [{transform_indices = #map}, {transform_indices = #map1}, {transform_indices = #map1}, {transform_indices = #map1}]} {
    %mul3A = arith.constant 2 : i32
    %mul3A_0 = arith.muli %arg1, %mul3A : i32
    %add3A = arith.addi %mul3A_0, %arg0 : i32
    %mul3A_1 = arith.constant 512 : i32
    %mul3A_2 = arith.muli %add3A, %mul3A_1 : i32
    %dma_start3A = tpu.memref_slice %arg2[%mul3A_2] : memref<16384xi32, #tpu.memory_space<hbm>> -> memref<512xi32, #tpu.memory_space<hbm>>
    %dma_start3A_3 = tpu.memref_slice %arg2[%mul3A_2] : memref<16384xi32, #tpu.memory_space<hbm>> -> memref<512xi32, #tpu.memory_space<hbm>>
    tpu.enqueue_dma source(%dma_start3A_3 : memref<512xi32, #tpu.memory_space<hbm>>) target(%arg6 : memref<512xi32, #tpu.memory_space<vmem>>) target_semaphore(%arg8 : memref<!tpu.dma_semaphore, #tpu.memory_space<semaphore_mem>>)
    %dma_wait3A = tpu.memref_slice %arg2[%mul3A_2] : memref<16384xi32, #tpu.memory_space<hbm>> -> memref<512xi32, #tpu.memory_space<hbm>>
    %dma_wait3A_4 = tpu.memref_slice %arg2[%mul3A_2] : memref<16384xi32, #tpu.memory_space<hbm>> -> memref<512xi32, #tpu.memory_space<hbm>>
    tpu.wait_dma2 semaphore(%arg8 : memref<!tpu.dma_semaphore, #tpu.memory_space<semaphore_mem>>) src(%dma_wait3A_4 : memref<512xi32, #tpu.memory_space<hbm>>) dst(%arg6 : memref<512xi32, #tpu.memory_space<vmem>>)
    %dma_start3A_5 = arith.constant 0 : i32
    %dma_start3A_6 = arith.constant 0 : i32
    %dma_start3A_7 = tpu.memref_slice %arg3[%dma_start3A_5, %dma_start3A_6] : memref<100001x32xf32, #tpu.memory_space<hbm>> -> memref<100001x32xf32, #tpu.memory_space<hbm>>
    tpu.enqueue_indirect_dma source(%dma_start3A_7 : memref<100001x32xf32, #tpu.memory_space<hbm>>) target(%arg7 : memref<512x32xf32, #tpu.memory_space<vmem>>) offsets(%arg6 : memref<512xi32, #tpu.memory_space<vmem>>) semaphore(%arg9 : memref<!tpu.dma_semaphore, #tpu.memory_space<semaphore_mem>>)
    %dma_wait3A_8 = arith.constant 0 : i32
    %dma_wait3A_9 = arith.constant 0 : i32
    %dma_wait3A_10 = tpu.memref_slice %arg3[%dma_wait3A_8, %dma_wait3A_9] : memref<100001x32xf32, #tpu.memory_space<hbm>> -> memref<100001x32xf32, #tpu.memory_space<hbm>>
    tpu.wait_indirect_dma semaphore(%arg9 : memref<!tpu.dma_semaphore, #tpu.memory_space<semaphore_mem>>) src(%dma_wait3A_10 : memref<100001x32xf32, #tpu.memory_space<hbm>>) dst(%arg7 : memref<512x32xf32, #tpu.memory_space<vmem>>)
    %dma_start3A_11 = arith.constant 32 : i32
    %dma_start3A_12 = tpu.memref_slice %arg4[%mul3A_2, %dma_start3A_11] : memref<16384x128xf32, #tpu.memory_space<hbm>> -> memref<512x32xf32, #tpu.memory_space<hbm>>
    %dma_start3A_13 = arith.constant 32 : i32
    %dma_start3A_14 = tpu.memref_slice %arg4[%mul3A_2, %dma_start3A_13] : memref<16384x128xf32, #tpu.memory_space<hbm>> -> memref<512x32xf32, #tpu.memory_space<hbm>>
    tpu.enqueue_dma source(%arg7 : memref<512x32xf32, #tpu.memory_space<vmem>>) target(%dma_start3A_14 : memref<512x32xf32, #tpu.memory_space<hbm>>) target_semaphore(%arg10 : memref<!tpu.dma_semaphore, #tpu.memory_space<semaphore_mem>>)
    %dma_wait3A_15 = arith.constant 32 : i32
    %dma_wait3A_16 = tpu.memref_slice %arg4[%mul3A_2, %dma_wait3A_15] : memref<16384x128xf32, #tpu.memory_space<hbm>> -> memref<512x32xf32, #tpu.memory_space<hbm>>
    %dma_wait3A_17 = arith.constant 32 : i32
    %dma_wait3A_18 = tpu.memref_slice %arg4[%mul3A_2, %dma_wait3A_17] : memref<16384x128xf32, #tpu.memory_space<hbm>> -> memref<512x32xf32, #tpu.memory_space<hbm>>
    tpu.wait_dma2 semaphore(%arg10 : memref<!tpu.dma_semaphore, #tpu.memory_space<semaphore_mem>>) src(%arg7 : memref<512x32xf32, #tpu.memory_space<vmem>>) dst(%dma_wait3A_18 : memref<512x32xf32, #tpu.memory_space<hbm>>)
    return
  }
}

</mosaic_0001>

<sc_bundles>
// kernel: hgnn_bands_0_2.3.cloned.1.call-start
scs
__scs_entry_jumppad:
0x0: {  	(pc) =	sbr.rel $0x88, $3  }
0x1: {  	(tag) =	ssettag $0x0;
	lr =	simm.s32 $0x1  }
0x2: {  	[smem:$0x3F99] =	sst lr;
	_ =	strace $0xD0000000  }
0x3: {  	_ = 	snop  }
0x4: {  	_ = 	snop  }
0x5: {  	_ = 	snop  }
0x6: {  	_ = 	snop  }
0x7: {  	_ = 	snop  }
__scs_overlays_trampoline_lowered:
0x8: {  	[smem:$0x3FA8] =	sst s0  }
0x9: {  	[smem:$0x3FA9] =	sst s1  }
0xa: {  	[smem:$0x3FAA] =	sst s2  }
0xb: {  	[smem:$0x3FAB] =	sst s3  }
0xc: {  	[smem:$0x3FAC] =	sst s4  }
0xd: {  	[smem:$0x3FAD] =	sst s5  }
0xe: {  	[smem:$0x3FAE] =	sst s6  }
0xf: {  	[smem:$0x3FAF] =	sst s7  }
0x10: {  	[smem:$0x3FB0] =	sst s8  }
0x11: {  	[smem:$0x3FB1] =	sst s9;
	s0 =	simm.s32 @!p0 $0x0  }
0x12: {  	s1 =	sld [smem:$0x3F97];
	s0 =	simm.s32 @p0 $0x1  }
0x13: {  	[smem:$0x3FB2] =	sst s0;
	s0 =	simm.s32 @!p1 $0x0  }
0x14: {  	s2 =	sld [smem:$0x3F96];
	s0 =	simm.s32 @p1 $0x1  }
0x15: {  	[smem:$0x3FB3] =	sst s0;
	s0 =	simm.s32 @!p2 $0x0  }
0x16: {  	s3 =	sld [smem:$0x3FDB];
	s0 =	simm.s32 @p2 $0x1  }
0x17: {  	s4 =	simm.s32 $0x1BF5;
	[smem:$0x3FB5] =	sst s0  }
0x18: {  	s0 =	sld [smem:$0x3F98];
	_ =	swait.ge [sflag:s4], $0x0  }
0x19: {  	s7 =	sld [smem:$0x3F99]  }
0x1a: {  	s8 =	sadd.s32 $0xFFFFE003, lr  }
0x1b: {  	s9 =	sadd.s32 $0xFFFFFEF7, lr;
	s5 =	simm.s32 $0xFFFFFFFF;
	p2 =	slt.u32 s8, $0xFFFFF086  }
0x1c: {  	p1 =	slt.u32 s9, $0xF7A;
	s5 =	simm.s32 @!p2 $0x0  }
0x1d: {  	s5 =	simm.s32 @p1 $0x1;
	p0 =	seq.s32 s7, s2  }
0x1e: {  	s7 =	smul.u32 @!p0 $0xF7A, s2;
	p2 =	seq.s32 @!p0 s5, $0x0  }
0x1f: {  	s9 =	smul.u32 $0xF7A, s1;
	s8 =	simm.s32 @!p0 $0x1BF5;
	p2 =	por !p2, p0  }
0x20: {  	[sflag:s8] =	ssyncset.s32 @!p0 $0xFFFFF086;
	s6 =	sadd.s32 @!p0 s3, s7;
	s7 =	simm.s32 @!p0 $0x108  }
0x21: {  	s3 =	sadd.s32 s3, s9;
	s6 =	sadd.s32 @!p0 $0x88, s6;
	s7 =	simm.s32 @p2 $0x1082  }
0x22: {  	[simem:s7], [sflag:s8] =	dma.local @!p0 [hbm:s6], $0xF7A  }
0x23: {  	s9 =	sor.u32 $0xD0000000, s2;
	s6 =	simm.s32 $0x108;
	_ =	swait.ge @!p0 [sflag:s8], $0x0  }
0x24: {  	s3 =	sadd.s32 $0x88, s3;
	s6 =	simm.s32 @!p1 $0x1082;
	[sflag:s4] =	ssyncset.s32 $0xFFFFF086  }
0x25: {  	[simem:s6], [sflag:s4] =	dma.local [hbm:s3], $0xF7A  }
0x26: {  	[smem:$0x3F99] =	sst s1;
	(tag) =	ssettag s2;
	_ =	strace s9  }
0x27: {  	s1 =	sld [smem:$0x3FA9]  }
0x28: {  	s2 =	sld [smem:$0x3FAA]  }
0x29: {  	s4 =	sld [smem:$0x3FAC]  }
0x2a: {  	p0 =	seq.s32 s5, $0x0;
	s5 =	sld [smem:$0x3FAD]  }
0x2b: {  	s6 =	sld [smem:$0x3FAE]  }
0x2c: {  	s7 =	sld [smem:$0x3FAF]  }
0x2d: {  	s3 =	simm.s32 $0x108;
	s8 =	sld [smem:$0x3FB0]  }
0x2e: {  	s3 =	simm.s32 @!p0 $0x1082;
	s9 =	sld [smem:$0x3FB1]  }
0x2f: {  	lr =	sadd.s32 s0, s3;
	s0 =	sld [smem:$0x3FA8]  }
0x30: {  	s3 =	sld [smem:$0x3FAB]  }
0x31: {  	[smem:$0x3FB4] =	sst s10  }
0x32: {  	s10 =	sld [smem:$0x3FB2];
	_ =	sdelay $0x3  }
0x33: {  	p0 =	seq.s32 s10, $0x1;
	s10 =	sld [smem:$0x3FB4];
	_ =	sdelay $0x3  }
0x34: {  	[smem:$0x3FB4] =	sst s10  }
0x35: {  	s10 =	sld [smem:$0x3FB3];
	_ =	sdelay $0x3  }
0x36: {  	p1 =	seq.s32 s10, $0x1;
	s10 =	sld [smem:$0x3FB4];
	_ =	sdelay $0x3  }
0x37: {  	[smem:$0x3FB4] =	sst s10  }
0x38: {  	s10 =	sld [smem:$0x3FB5]  }
0x39: {  	_ = 	snop;
	(pc) =	sbr.ind lr, $3  }
0x3a: {  	_ = 	snop  }
0x3b: {  	_ = 	snop  }
0x3c: {  	p2 =	seq.s32 s10, $0x1;
	s10 =	sld [smem:$0x3FB4]  }
0x3d: {  	_ =	shalt  }
0x3e: {  	_ =	shalt  }
0x3f: {  	_ =	shalt  }
0x40: {  	_ =	shalt  }
0x41: {  	_ =	shalt  }
0x42: {  	_ =	shalt  }
0x43: {  	_ =	shalt  }
0x44: {  	_ =	shalt  }
0x45: {  	_ =	shalt  }
0x46: {  	_ =	shalt  }
0x47: {  	_ =	shalt  }
0x48: {  	_ =	shalt  }
0x49: {  	_ =	shalt  }
0x4a: {  	_ =	shalt  }
0x4b: {  	_ =	shalt  }
0x4c: {  	_ =	shalt  }
0x4d: {  	_ =	shalt  }
0x4e: {  	_ =	shalt  }
0x4f: {  	_ =	shalt  }
0x50: {  	_ =	shalt  }
0x51: {  	_ =	shalt  }
0x52: {  	_ =	shalt  }
0x53: {  	_ =	shalt  }
0x54: {  	_ =	shalt  }
0x55: {  	_ =	shalt  }
0x56: {  	_ =	shalt  }
0x57: {  	_ =	shalt  }
0x58: {  	_ =	shalt  }
0x59: {  	_ =	shalt  }
0x5a: {  	_ =	shalt  }
0x5b: {  	_ =	shalt  }
0x5c: {  	_ =	shalt  }
0x5d: {  	_ =	shalt  }
0x5e: {  	_ =	shalt  }
0x5f: {  	_ =	shalt  }
0x60: {  	_ =	shalt  }
0x61: {  	_ =	shalt  }
0x62: {  	_ =	shalt  }
0x63: {  	_ =	shalt  }
0x64: {  	_ =	shalt  }
0x65: {  	_ =	shalt  }
0x66: {  	_ =	shalt  }
0x67: {  	_ =	shalt  }
0x68: {  	_ =	shalt  }
0x69: {  	_ =	shalt  }
0x6a: {  	_ =	shalt  }
0x6b: {  	_ =	shalt  }
0x6c: {  	_ =	shalt  }
0x6d: {  	_ =	shalt  }
0x6e: {  	_ =	shalt  }
0x6f: {  	_ =	shalt  }
0x70: {  	_ =	shalt  }
0x71: {  	_ =	shalt  }
0x72: {  	_ =	shalt  }
0x73: {  	_ =	shalt  }
0x74: {  	_ =	shalt  }
0x75: {  	_ =	shalt  }
0x76: {  	_ =	shalt  }
0x77: {  	_ =	shalt  }
0x78: {  	_ =	shalt  }
0x79: {  	_ =	shalt  }
0x7a: {  	_ =	shalt  }
0x7b: {  	_ =	shalt  }
0x7c: {  	_ =	shalt  }
0x7d: {  	_ =	shalt  }
0x7e: {  	_ =	shalt  }
0x7f: {  	_ =	shalt  }
0x80: {  	_ =	shalt  }
0x81: {  	_ =	shalt  }
0x82: {  	_ =	shalt  }
0x83: {  	_ =	shalt  }
0x84: {  	_ =	shalt  }
0x85: {  	_ =	shalt  }
0x86: {  	_ =	shalt  }
0x87: {  	_ =	shalt  }
.Lfunc_end0:
.L_simem_size_0:
called_computation_lowered:
.L_overlay_start_0:
0x88: {  	s2 =	sld [smem:$0x3FD9]  }
0x89: {  	s3 =	sld [smem:$0x3FFE];
	_ =	sdelay $0x1  }
0x8a: {  	s1 =	srdreg.scid  }
0x8b: {  	s0 =	sand.u32 $0x1, s1  }
0x8c: {  	s17 =	sshll.u32 s0, $0xA;
	s2 =	sadd.s32 s3, s2  }
0x8d: {  	s2 =	sadd.s32 s2, s17  }
0x8e: {  	[smem:$0x3FC0] =	sst s2  }
0x8f: {  	_ = 	snop  }
0x90: {  	s2 =	sld [smem:$0x3FC9]  }
0x91: {  	s18 =	sld [smem:$0x3FC7]  }
0x92: {  	s4 =	sld [smem:$0x3FD0];
	(tm) =	ssettm $0x1  }
0x93: {  	s5 =	sld [smem:$0x3FFB];
	_ =	sdelay $0x3  }
0x94: {  	_ =	strace s5  }
0x95: {  	s5 =	sld [smem:$0x3FFC];
	_ =	sdelay $0x3  }
0x96: {  	_ =	strace s5  }
0x97: {  	s5 =	sld [smem:$0x3FFD];
	_ =	sdelay $0x3  }
0x98: {  	_ =	strace s5  }
0x99: {  	_ =	strace $0x8FFFFFFF  }
0x9a: {  	s19 =	sld [smem:$0x3FDB];
	_ =	sdelay $0x1  }
0x9b: {  	s6 =	simm.s32 $_scs_section_size  }
0x9c: {  	s7 =	simm.s32 $_size__tile_overlayer_lowered;
	s8 =	simm.s32 $_tile_overlayer_lowered  }
0x9d: {  	s22 =	simm.s32 $0x1BFF;
	s21 =	sshll.u32 s8, $0x1;
	s5 =	sadd.s32 s6, s19  }
0x9e: {  	s9 =	simm.s32 $0x0;
	s20 =	sshll.u32 s7, $0x1;
	s7 =	sadd.s32 s21, s5  }
0x9f: {  	[timem:s9], [sflag:s22] =	dma.local [hbm:s7], s20  }
0xa0: {  	_ =	swait.ge [sflag:s22], s20  }
0xa1: {  	s6 =	ssub.s32 $0x0, s20;
	[sflag:s22] =	ssyncset.done $0x0  }
0xa2: {  	[sflag:s22] =	ssyncadd.s32 s6;
	_ =	sdelay $0x1  }
0xa3: {  	s23 =	simm.s32 $0x1B8B  }
0xa4: {  	_ =	swait.ge [sflag:s23], $0x1  }
0xa5: {  	[sflag:s23] =	ssyncset.done $0x0  }
0xa6: {  	s25 =	simm.s32 $0x1B8E;
	s24 =	sld [smem:$0x3FFE];
	[sflag:s23] =	ssyncadd.s32 $0xFFFFFFFF  }
0xa7: {  	s26 =	simm.s32 $execute0_lowered;
	[smem:$0x3FD2] =	sst s25  }
0xa8: {  	s7 =	sshll.u32 s26, $0x1;
	_ =	strace $0x80000046;
	[dreg:$0x1] =	wrdreg $0xFFFFFFFF  }
0xa9: {  	s28 =	simm.s32 $_size_execute0_lowered;
	s5 =	sadd.s32 s5, s7;
	[dreg:$0x0] =	wrdreg $0x0  }
0xaa: {  	s7 =	sshll.u32 s28, $0x1;
	[dreg:$0x2] =	wrdreg s5  }
0xab: {  	[dreg:$0x3] =	wrdreg s7  }
0xac: {  	[dreg:$0x4] =	wrdreg $0xC0  }
0xad: {  	_ =	task [dreg:s9], $0x5FFFF  }
0xae: {  	[dreg:$0x1] =	wrdreg $0xFFFFFFFF  }
0xaf: {  	[dreg:$0x0] =	wrdreg $0x60  }
0xb0: {  	[dreg:$0x2] =	wrdreg s2  }
0xb1: {  	[dreg:$0x3] =	wrdreg s18  }
0xb2: {  	[dreg:$0x4] =	wrdreg s24  }
0xb3: {  	[dreg:$0x5] =	wrdreg s4  }
0xb4: {  	[dreg:$0x6] =	wrdreg $0x9  }
0xb5: {  	_ =	task.clear_ibuf [dreg:s9], $0x7FFFF;
	_ =	strace $0x90000046  }
0xb6: {  	s29 =	simm.s32 $0x9;
	_ =	strace $0x80000048  }
0xb7: {  	_ =	swait.ge [sflag:s29], $0x1  }
0xb8: {  	[sflag:s29] =	ssyncadd.s32 $0xFFFFFFFF  }
0xb9: {  	_ =	strace $0x90000048  }
0xba: {  	_ =	sfence  }
0xbb: {  	s30 =	sld [smem:$0x0];
	_ =	sdelay $0x2  }
0xbc: {  	s31 =	sshll.u32 s1, $0xD;
	s1 =	sshrl.u32 s1, $0x2  }
0xbd: {  	s3 =	sand.u32 $0x4000, s31;
	s1 =	sadd.s32 s1, s30  }
0xbe: {  	s0 =	sor.u32 s3, s0;
	s1 =	sshll.u32 s1, $0x11  }
0xbf: {  	s0 =	sor.u32 s1, s0  }
0xc0: {  	s0 =	sadd.s32 $0x8F2B, s0  }
0xc1: {  	[sflag:s0] =	ssyncadd.remote.s32 $0x1  }
0xc2: {  	_ =	sfence.sel $0xFFFF  }
0xc3: {  	[dreg:$0x0] =	wrdreg $0xFFFFFFFF;
	(pc) =	sbr.abs _section_cstart, $3  }
0xc4: {  	[dreg:$0x1] =	wrdreg $0xFFFFFFFF  }
0xc5: {  	_ =	task.clear_ibuf [dreg:s9], $0x2FFFF;
	_ =	strace $0x9FFFFFFF  }
0xc6: {  	(tm) =	ssettm $0x7FFFFFFF  }
0xc7: {  	_ =	shalt  }
tec
execute0_lowered:
.L_overlay_start_1:
0x0: {  	(tag) =	ssettag $0x1  }
0x1: {  	s3 =	rddreg [dreg:$0x0];
	s1 =	srdreg.scid  }
0x2: {  	s4 =	rddreg [dreg:$0x1];
	s0 =	stileid.u32;
	s17 =	sand.u32 $0x1, s1  }
0x3: {  	s10 =	rddreg [dreg:$0x2];
	s5 =	sshll.u32 s0, $0xA;
	s6 =	sshll.u32 s17, $0x9  }
0x4: {  	s13 =	rddreg [dreg:$0x3];
	s2 =	simm.s32 $0x0;
	s14 =	sor.u32 s6, s5  }
0x5: {  	[smem:$0x7FF] =	sst s2;
	s5 =	sshrl.u32 s14, $0x3  }
0x6: {  	s1 =	rddreg [dreg:$0x4];
	_ =	strace $0x80000047;
	s3 =	sadd.s32 s3, s5  }
0x7: {  	[tilespmem:s2], [sflag:$0x1] =	stream.linear.gather [hbm4b:s3+s2], $0x200, $0x38;
	[tilespmem:$0x8400] =	vst v63  }
0x8: {  	s6 =	simm.s32 $0x1;
	s4 =	sadd.s32 s4, s5;
	s5 =	simm.s32 $0x200  }
0x9: {  	[tilespmem:s5], [sflag:$0x2] =	stream.linear.gather [hbm4b:s4+s2], $0x200, $0x38;
	[tilespmem:$0x8400] =	vst v63  }
0xa: {  	_ =	swait.ge [sflag:s6], $0x200  }
0xb: {  	s8 =	simm.s32 $0x400;
	[sflag:s6] =	ssyncset.done $0x0  }
0xc: {  	s9 =	simm.s32 $0x2;
	s7 =	sadd.s32 $0x2C00, s10;
	[sflag:s6] =	ssyncadd.s32 $0xFFFFFE00  }
0xd: {  	[tilespmem:s8], [sflag:$0x3] =	stream.indirect.gather [hbm4b:s7+s5], $0x20, s2, s5, $0xb8;
	[tilespmem:$0x8400] =	vst v63  }
0xe: {  	_ =	swait.ge [sflag:s9], $0x200  }
0xf: {  	s11 =	simm.s32 $0x4400;
	s12 =	simm.s32 $0x3;
	[sflag:s9] =	ssyncset.done $0x0  }
0x10: {  	s15 =	simm.s32 $0x80;
	s10 =	sadd.s32 $0x2E00, s10;
	[sflag:s9] =	ssyncadd.s32 $0xFFFFFE00  }
0x11: {  	[tilespmem:s11], [sflag:$0x4] =	stream.indirect.gather [hbm4b:s10+s5], $0x20, s5, s5, $0xb8;
	[tilespmem:$0x8400] =	vst v63  }
0x12: {  	s16 =	simm.s32 $0x4;
	s19 =	ssub.s32 $0x2, s17;
	_ =	swait.ge [sflag:s12], $0x4000  }
0x13: {  	s20 =	sshrl.u32 s19, $0x1;
	s14 =	sshll.u32 s14, $0x4;
	[sflag:s12] =	ssyncset.done $0x0  }
0x14: {  	s13 =	sadd.s32 s13, s14;
	s14 =	simm.s32 $0x20;
	[sflag:s12] =	ssyncadd.s32 $0xFFFFC000  }
0x15: {  	[hbm4b:s13+s14] =	stream.strided.scatter [tilespmem:s8], [sflag:$0x5], $0x4000, s15, s14, $0x38;
	[tilespmem:$0x8400] =	vst v63  }
0x16: {  	s19 =	ssub.s32 s19, s20;
	_ =	swait.ge [sflag:s16], $0x4000  }
0x17: {  	s18 =	simm.s32 $0x5;
	s20 =	smax.u32 s19, $0x1;
	[sflag:s16] =	ssyncset.done $0x0  }
0x18: {  	s17 =	sadd.s32 $0x8, s13;
	p0 =	sne.s32 s20, $0x1;
	[sflag:s16] =	ssyncadd.s32 $0xFFFFC000  }
0x19: {  	[hbm4b:s17+s14] =	stream.strided.scatter [tilespmem:s11], [sflag:$0x6], $0x4000, s15, s14, $0x38;
	[tilespmem:$0x8400] =	vst v63  }
.Ltmp0:
0x1a: {  	_ =	swait.ge [sflag:s18], $0x4000;
	(pc) =	sbr.rel @!p0 .LBB2_2-.Ltmp0, $4  }
0x1b: {  	[sflag:s18] =	ssyncset.done $0x0  }
0x1c: {  	s19 =	simm.s32 $0x6;
	[sflag:s18] =	ssyncadd.s32 $0xFFFFC000  }
0x1d: {  	_ =	swait.ge [sflag:s19], $0x4000  }
0x1e: {  	s20 =	sadd.s32 $0xFFFFFFFF, s20;
	[sflag:s19] =	ssyncset.done $0x0  }
.LBB2_1:
0x1f: {  	p0 =	sne.s32 s20, $0x1;
	s20 =	sadd.s32 $0xFFFFFFFF, s20;
	[sflag:s19] =	ssyncadd.s32 $0xFFFFC000  }
0x20: {  	[tilespmem:s2], [sflag:$0x1] =	stream.linear.gather [hbm4b:s3+s2], $0x200, $0x38;
	[tilespmem:$0x8400] =	vst v63  }
0x21: {  	_ = 	snop  }
0x22: {  	[tilespmem:s5], [sflag:$0x2] =	stream.linear.gather [hbm4b:s4+s2], $0x200, $0x38;
	[tilespmem:$0x8400] =	vst v63  }
0x23: {  	_ =	swait.ge [sflag:s6], $0x200  }
0x24: {  	[sflag:s6] =	ssyncset.done $0x0  }
0x25: {  	[sflag:s6] =	ssyncadd.s32 $0xFFFFFE00  }
0x26: {  	[tilespmem:s8], [sflag:$0x3] =	stream.indirect.gather [hbm4b:s7+s5], $0x20, s2, s5, $0xb8;
	[tilespmem:$0x8400] =	vst v63  }
0x27: {  	_ =	swait.ge [sflag:s9], $0x200  }
0x28: {  	[sflag:s9] =	ssyncset.done $0x0  }
0x29: {  	[sflag:s9] =	ssyncadd.s32 $0xFFFFFE00  }
0x2a: {  	[tilespmem:s11], [sflag:$0x4] =	stream.indirect.gather [hbm4b:s10+s5], $0x20, s5, s5, $0xb8;
	[tilespmem:$0x8400] =	vst v63  }
0x2b: {  	_ =	swait.ge [sflag:s12], $0x4000  }
0x2c: {  	[sflag:s12] =	ssyncset.done $0x0  }
0x2d: {  	[sflag:s12] =	ssyncadd.s32 $0xFFFFC000  }
0x2e: {  	[hbm4b:s13+s14] =	stream.strided.scatter [tilespmem:s8], [sflag:$0x5], $0x4000, s15, s14, $0x38;
	[tilespmem:$0x8400] =	vst v63  }
0x2f: {  	_ =	swait.ge [sflag:s16], $0x4000  }
0x30: {  	[sflag:s16] =	ssyncset.done $0x0  }
0x31: {  	[sflag:s16] =	ssyncadd.s32 $0xFFFFC000  }
0x32: {  	[hbm4b:s17+s14] =	stream.strided.scatter [tilespmem:s11], [sflag:$0x6], $0x4000, s15, s14, $0x38;
	[tilespmem:$0x8400] =	vst v63  }
.Ltmp1:
0x33: {  	_ =	swait.ge [sflag:s18], $0x4000;
	(pc) =	sbr.rel @p0 .LBB2_1-.Ltmp1, $4  }
0x34: {  	[sflag:s18] =	ssyncset.done $0x0  }
0x35: {  	[sflag:s18] =	ssyncadd.s32 $0xFFFFC000  }
0x36: {  	_ =	swait.ge [sflag:s19], $0x4000  }
0x37: {  	[sflag:s19] =	ssyncset.done $0x0  }
.LBB2_2:
0x38: {  	[sflag:s19] =	ssyncadd.s32 $0xFFFFC000  }
0x39: {  	_ =	sfence.sel $0x180000  }
0x3a: {  	[bflag:$0x0] =	sbarrier.arrive $0xFFFF  }
0x3b: {  	p0 =	sne.s32 s0, $0x0;
	_ =	strace $0x90000047  }
0x3c: {  	s0 =	sadd.s32 @!p0 $0x100000, s1;
	[bflag:$0x2] =	sbarrier.arrive $0xFFFF  }
0x3d: {  	[sflag:s0] =	ssyncadd.tile.s32 @!p0 $0x1;
	_ =	shalt  }
.Lfunc_end2:
_tile_overlayer_lowered:
.L_overlay_start_2:
0x3e: {  	(tag) =	ssettag $0x2  }
0x3f: {  	s0 =	rddreg [dreg:$0x0];
	s2 =	stileid.u32  }
0x40: {  	s1 =	rddreg [dreg:$0x1];
	p0 =	sne.s32 s2, $0x0  }
0x41: {  	s3 =	rddreg [dreg:$0x2];
	[bflag:$0x3] =	sbarrier.arrive $0xFFFF;
	s2 =	simm.s32 @!p0 $0x1C07  }
0x42: {  	[timem:s3], [sflag:s2] =	dma.local @!p0 [hbm:s0], s1  }
0x43: {  	s0 =	simm.s32 @!p0 $0x7  }
0x44: {  	_ =	swait.ge @!p0 [sflag:s0], s1  }
0x45: {  	s1 =	ssub.s32 @!p0 $0x0, s1;
	[sflag:s0] =	ssyncset.done @!p0 $0x0  }
0x46: {  	[sflag:s0] =	ssyncadd.s32 @!p0 s1  }
0x47: {  	[bflag:$0x3] =	sbarrier.arrive $0xFFFF  }
0x48: {  	_ =	shalt  }

// kernel: hgnn_bands_1.3.cloned.1.call-start
scs
__scs_entry_jumppad:
0x0: {  	(pc) =	sbr.rel $0x88, $3  }
0x1: {  	(tag) =	ssettag $0x0;
	lr =	simm.s32 $0x1  }
0x2: {  	[smem:$0x3F99] =	sst lr;
	_ =	strace $0xD0000000  }
0x3: {  	_ = 	snop  }
0x4: {  	_ = 	snop  }
0x5: {  	_ = 	snop  }
0x6: {  	_ = 	snop  }
0x7: {  	_ = 	snop  }
__scs_overlays_trampoline_lowered:
0x8: {  	[smem:$0x3FA8] =	sst s0  }
0x9: {  	[smem:$0x3FA9] =	sst s1  }
0xa: {  	[smem:$0x3FAA] =	sst s2  }
0xb: {  	[smem:$0x3FAB] =	sst s3  }
0xc: {  	[smem:$0x3FAC] =	sst s4  }
0xd: {  	[smem:$0x3FAD] =	sst s5  }
0xe: {  	[smem:$0x3FAE] =	sst s6  }
0xf: {  	[smem:$0x3FAF] =	sst s7  }
0x10: {  	[smem:$0x3FB0] =	sst s8  }
0x11: {  	[smem:$0x3FB1] =	sst s9;
	s0 =	simm.s32 @!p0 $0x0  }
0x12: {  	s1 =	sld [smem:$0x3F97];
	s0 =	simm.s32 @p0 $0x1  }
0x13: {  	[smem:$0x3FB2] =	sst s0;
	s0 =	simm.s32 @!p1 $0x0  }
0x14: {  	s2 =	sld [smem:$0x3F96];
	s0 =	simm.s32 @p1 $0x1  }
0x15: {  	[smem:$0x3FB3] =	sst s0;
	s0 =	simm.s32 @!p2 $0x0  }
0x16: {  	s3 =	sld [smem:$0x3FDB];
	s0 =	simm.s32 @p2 $0x1  }
0x17: {  	s4 =	simm.s32 $0x1BF5;
	[smem:$0x3FB5] =	sst s0  }
0x18: {  	s0 =	sld [smem:$0x3F98];
	_ =	swait.ge [sflag:s4], $0x0  }
0x19: {  	s7 =	sld [smem:$0x3F99]  }
0x1a: {  	s8 =	sadd.s32 $0xFFFFE003, lr  }
0x1b: {  	s9 =	sadd.s32 $0xFFFFFEF7, lr;
	s5 =	simm.s32 $0xFFFFFFFF;
	p2 =	slt.u32 s8, $0xFFFFF086  }
0x1c: {  	p1 =	slt.u32 s9, $0xF7A;
	s5 =	simm.s32 @!p2 $0x0  }
0x1d: {  	s5 =	simm.s32 @p1 $0x1;
	p0 =	seq.s32 s7, s2  }
0x1e: {  	s7 =	smul.u32 @!p0 $0xF7A, s2;
	p2 =	seq.s32 @!p0 s5, $0x0  }
0x1f: {  	s9 =	smul.u32 $0xF7A, s1;
	s8 =	simm.s32 @!p0 $0x1BF5;
	p2 =	por !p2, p0  }
0x20: {  	[sflag:s8] =	ssyncset.s32 @!p0 $0xFFFFF086;
	s6 =	sadd.s32 @!p0 s3, s7;
	s7 =	simm.s32 @!p0 $0x108  }
0x21: {  	s3 =	sadd.s32 s3, s9;
	s6 =	sadd.s32 @!p0 $0x88, s6;
	s7 =	simm.s32 @p2 $0x1082  }
0x22: {  	[simem:s7], [sflag:s8] =	dma.local @!p0 [hbm:s6], $0xF7A  }
0x23: {  	s9 =	sor.u32 $0xD0000000, s2;
	s6 =	simm.s32 $0x108;
	_ =	swait.ge @!p0 [sflag:s8], $0x0  }
0x24: {  	s3 =	sadd.s32 $0x88, s3;
	s6 =	simm.s32 @!p1 $0x1082;
	[sflag:s4] =	ssyncset.s32 $0xFFFFF086  }
0x25: {  	[simem:s6], [sflag:s4] =	dma.local [hbm:s3], $0xF7A  }
0x26: {  	[smem:$0x3F99] =	sst s1;
	(tag) =	ssettag s2;
	_ =	strace s9  }
0x27: {  	s1 =	sld [smem:$0x3FA9]  }
0x28: {  	s2 =	sld [smem:$0x3FAA]  }
0x29: {  	s4 =	sld [smem:$0x3FAC]  }
0x2a: {  	p0 =	seq.s32 s5, $0x0;
	s5 =	sld [smem:$0x3FAD]  }
0x2b: {  	s6 =	sld [smem:$0x3FAE]  }
0x2c: {  	s7 =	sld [smem:$0x3FAF]  }
0x2d: {  	s3 =	simm.s32 $0x108;
	s8 =	sld [smem:$0x3FB0]  }
0x2e: {  	s3 =	simm.s32 @!p0 $0x1082;
	s9 =	sld [smem:$0x3FB1]  }
0x2f: {  	lr =	sadd.s32 s0, s3;
	s0 =	sld [smem:$0x3FA8]  }
0x30: {  	s3 =	sld [smem:$0x3FAB]  }
0x31: {  	[smem:$0x3FB4] =	sst s10  }
0x32: {  	s10 =	sld [smem:$0x3FB2];
	_ =	sdelay $0x3  }
0x33: {  	p0 =	seq.s32 s10, $0x1;
	s10 =	sld [smem:$0x3FB4];
	_ =	sdelay $0x3  }
0x34: {  	[smem:$0x3FB4] =	sst s10  }
0x35: {  	s10 =	sld [smem:$0x3FB3];
	_ =	sdelay $0x3  }
0x36: {  	p1 =	seq.s32 s10, $0x1;
	s10 =	sld [smem:$0x3FB4];
	_ =	sdelay $0x3  }
0x37: {  	[smem:$0x3FB4] =	sst s10  }
0x38: {  	s10 =	sld [smem:$0x3FB5]  }
0x39: {  	_ = 	snop;
	(pc) =	sbr.ind lr, $3  }
0x3a: {  	_ = 	snop  }
0x3b: {  	_ = 	snop  }
0x3c: {  	p2 =	seq.s32 s10, $0x1;
	s10 =	sld [smem:$0x3FB4]  }
0x3d: {  	_ =	shalt  }
0x3e: {  	_ =	shalt  }
0x3f: {  	_ =	shalt  }
0x40: {  	_ =	shalt  }
0x41: {  	_ =	shalt  }
0x42: {  	_ =	shalt  }
0x43: {  	_ =	shalt  }
0x44: {  	_ =	shalt  }
0x45: {  	_ =	shalt  }
0x46: {  	_ =	shalt  }
0x47: {  	_ =	shalt  }
0x48: {  	_ =	shalt  }
0x49: {  	_ =	shalt  }
0x4a: {  	_ =	shalt  }
0x4b: {  	_ =	shalt  }
0x4c: {  	_ =	shalt  }
0x4d: {  	_ =	shalt  }
0x4e: {  	_ =	shalt  }
0x4f: {  	_ =	shalt  }
0x50: {  	_ =	shalt  }
0x51: {  	_ =	shalt  }
0x52: {  	_ =	shalt  }
0x53: {  	_ =	shalt  }
0x54: {  	_ =	shalt  }
0x55: {  	_ =	shalt  }
0x56: {  	_ =	shalt  }
0x57: {  	_ =	shalt  }
0x58: {  	_ =	shalt  }
0x59: {  	_ =	shalt  }
0x5a: {  	_ =	shalt  }
0x5b: {  	_ =	shalt  }
0x5c: {  	_ =	shalt  }
0x5d: {  	_ =	shalt  }
0x5e: {  	_ =	shalt  }
0x5f: {  	_ =	shalt  }
0x60: {  	_ =	shalt  }
0x61: {  	_ =	shalt  }
0x62: {  	_ =	shalt  }
0x63: {  	_ =	shalt  }
0x64: {  	_ =	shalt  }
0x65: {  	_ =	shalt  }
0x66: {  	_ =	shalt  }
0x67: {  	_ =	shalt  }
0x68: {  	_ =	shalt  }
0x69: {  	_ =	shalt  }
0x6a: {  	_ =	shalt  }
0x6b: {  	_ =	shalt  }
0x6c: {  	_ =	shalt  }
0x6d: {  	_ =	shalt  }
0x6e: {  	_ =	shalt  }
0x6f: {  	_ =	shalt  }
0x70: {  	_ =	shalt  }
0x71: {  	_ =	shalt  }
0x72: {  	_ =	shalt  }
0x73: {  	_ =	shalt  }
0x74: {  	_ =	shalt  }
0x75: {  	_ =	shalt  }
0x76: {  	_ =	shalt  }
0x77: {  	_ =	shalt  }
0x78: {  	_ =	shalt  }
0x79: {  	_ =	shalt  }
0x7a: {  	_ =	shalt  }
0x7b: {  	_ =	shalt  }
0x7c: {  	_ =	shalt  }
0x7d: {  	_ =	shalt  }
0x7e: {  	_ =	shalt  }
0x7f: {  	_ =	shalt  }
0x80: {  	_ =	shalt  }
0x81: {  	_ =	shalt  }
0x82: {  	_ =	shalt  }
0x83: {  	_ =	shalt  }
0x84: {  	_ =	shalt  }
0x85: {  	_ =	shalt  }
0x86: {  	_ =	shalt  }
0x87: {  	_ =	shalt  }
.Lfunc_end0:
.L_simem_size_0:
called_computation.1_lowered:
.L_overlay_start_0:
0x88: {  	s2 =	sld [smem:$0x3FD9]  }
0x89: {  	s3 =	sld [smem:$0x3FFE];
	_ =	sdelay $0x1  }
0x8a: {  	s1 =	srdreg.scid  }
0x8b: {  	s0 =	sand.u32 $0x1, s1  }
0x8c: {  	s17 =	sshll.u32 s0, $0xA;
	s2 =	sadd.s32 s3, s2  }
0x8d: {  	s2 =	sadd.s32 s2, s17  }
0x8e: {  	[smem:$0x3FC0] =	sst s2  }
0x8f: {  	_ = 	snop  }
0x90: {  	s2 =	sld [smem:$0x3FC8]  }
0x91: {  	s18 =	sld [smem:$0x3FD0];
	(tm) =	ssettm $0x1  }
0x92: {  	s4 =	sld [smem:$0x3FFB];
	_ =	sdelay $0x3  }
0x93: {  	_ =	strace s4  }
0x94: {  	s4 =	sld [smem:$0x3FFC];
	_ =	sdelay $0x3  }
0x95: {  	_ =	strace s4  }
0x96: {  	s4 =	sld [smem:$0x3FFD];
	_ =	sdelay $0x3  }
0x97: {  	_ =	strace s4  }
0x98: {  	_ =	strace $0x8FFFFFFF  }
0x99: {  	s19 =	sld [smem:$0x3FDB];
	_ =	sdelay $0x1  }
0x9a: {  	s5 =	simm.s32 $_scs_section_size  }
0x9b: {  	s6 =	simm.s32 $_size__tile_overlayer_lowered;
	s7 =	simm.s32 $_tile_overlayer_lowered  }
0x9c: {  	s22 =	simm.s32 $0x1BFF;
	s21 =	sshll.u32 s7, $0x1;
	s4 =	sadd.s32 s5, s19  }
0x9d: {  	s8 =	simm.s32 $0x0;
	s20 =	sshll.u32 s6, $0x1;
	s6 =	sadd.s32 s21, s4  }
0x9e: {  	[timem:s8], [sflag:s22] =	dma.local [hbm:s6], s20  }
0x9f: {  	_ =	swait.ge [sflag:s22], s20  }
0xa0: {  	s5 =	ssub.s32 $0x0, s20;
	[sflag:s22] =	ssyncset.done $0x0  }
0xa1: {  	[sflag:s22] =	ssyncadd.s32 s5;
	_ =	sdelay $0x1  }
0xa2: {  	s23 =	simm.s32 $0x1B8B  }
0xa3: {  	_ =	swait.ge [sflag:s23], $0x1  }
0xa4: {  	[sflag:s23] =	ssyncset.done $0x0  }
0xa5: {  	s25 =	simm.s32 $0x1B8E;
	s24 =	sld [smem:$0x3FFE];
	[sflag:s23] =	ssyncadd.s32 $0xFFFFFFFF  }
0xa6: {  	s26 =	simm.s32 $execute0_lowered;
	[smem:$0x3FD2] =	sst s25  }
0xa7: {  	s6 =	sshll.u32 s26, $0x1;
	_ =	strace $0x80000049;
	[dreg:$0x1] =	wrdreg $0xFFFFFFFF  }
0xa8: {  	s28 =	simm.s32 $_size_execute0_lowered;
	s4 =	sadd.s32 s4, s6;
	[dreg:$0x0] =	wrdreg $0x0  }
0xa9: {  	s6 =	sshll.u32 s28, $0x1;
	[dreg:$0x2] =	wrdreg s4  }
0xaa: {  	[dreg:$0x3] =	wrdreg s6  }
0xab: {  	[dreg:$0x4] =	wrdreg $0xC0  }
0xac: {  	_ =	task [dreg:s8], $0x5FFFF  }
0xad: {  	[dreg:$0x1] =	wrdreg $0xFFFFFFFF  }
0xae: {  	[dreg:$0x0] =	wrdreg $0x60  }
0xaf: {  	[dreg:$0x2] =	wrdreg s2  }
0xb0: {  	[dreg:$0x3] =	wrdreg s24  }
0xb1: {  	[dreg:$0x4] =	wrdreg s18  }
0xb2: {  	[dreg:$0x5] =	wrdreg $0x9  }
0xb3: {  	_ =	task.clear_ibuf [dreg:s8], $0x6FFFF;
	_ =	strace $0x90000049  }
0xb4: {  	s29 =	simm.s32 $0x9;
	_ =	strace $0x8000004B  }
0xb5: {  	_ =	swait.ge [sflag:s29], $0x1  }
0xb6: {  	[sflag:s29] =	ssyncadd.s32 $0xFFFFFFFF  }
0xb7: {  	_ =	strace $0x9000004B  }
0xb8: {  	_ =	sfence  }
0xb9: {  	s30 =	sld [smem:$0x0];
	_ =	sdelay $0x2  }
0xba: {  	s31 =	sshll.u32 s1, $0xD;
	s1 =	sshrl.u32 s1, $0x2  }
0xbb: {  	s3 =	sand.u32 $0x4000, s31;
	s1 =	sadd.s32 s1, s30  }
0xbc: {  	s0 =	sor.u32 s3, s0;
	s1 =	sshll.u32 s1, $0x11  }
0xbd: {  	s0 =	sor.u32 s1, s0  }
0xbe: {  	s0 =	sadd.s32 $0x8F2B, s0  }
0xbf: {  	[sflag:s0] =	ssyncadd.remote.s32 $0x1  }
0xc0: {  	_ =	sfence.sel $0xFFFF  }
0xc1: {  	[dreg:$0x0] =	wrdreg $0xFFFFFFFF;
	(pc) =	sbr.abs _section_cstart, $3  }
0xc2: {  	[dreg:$0x1] =	wrdreg $0xFFFFFFFF  }
0xc3: {  	_ =	task.clear_ibuf [dreg:s8], $0x2FFFF;
	_ =	strace $0x9FFFFFFF  }
0xc4: {  	(tm) =	ssettm $0x7FFFFFFF  }
0xc5: {  	_ =	shalt  }
tec
execute0_lowered:
.L_overlay_start_1:
0x0: {  	(tag) =	ssettag $0x1  }
0x1: {  	s4 =	rddreg [dreg:$0x0]  }
0x2: {  	s3 =	rddreg [dreg:$0x1]  }
0x3: {  	s6 =	rddreg [dreg:$0x2];
	s2 =	srdreg.scid  }
0x4: {  	s0 =	rddreg [dreg:$0x3];
	s1 =	stileid.u32;
	s7 =	sand.u32 $0x1, s2  }
0x5: {  	s2 =	simm.s32 $0x0;
	s5 =	sshll.u32 s1, $0xA;
	s8 =	sshll.u32 s7, $0x9  }
0x6: {  	s3 =	sadd.s32 $0x189C00, s3;
	[smem:$0x7FF] =	sst s2;
	s8 =	sor.u32 s8, s5  }
0x7: {  	s9 =	ssub.s32 $0x2, s7;
	s7 =	simm.s32 $0x2;
	s5 =	sshrl.u32 s8, $0x3  }
0x8: {  	_ =	strace $0x8000004A;
	s4 =	sadd.s32 s4, s5;
	s5 =	simm.s32 $0x1  }
0x9: {  	[tilespmem:s2], [sflag:$0x1] =	stream.linear.gather [hbm4b:s4+s2], $0x200, $0x38;
	[tilespmem:$0x4200] =	vst v63  }
0xa: {  	s31 =	sshrl.u32 s9, $0x1;
	s30 =	sshll.u32 s8, $0x4;
	_ =	swait.ge [sflag:s5], $0x200  }
0xb: {  	s9 =	ssub.s32 s9, s31;
	s10 =	sadd.s32 s30, s6;
	[sflag:s5] =	ssyncset.done $0x0  }
0xc: {  	s6 =	simm.s32 $0x200;
	s12 =	smax.u32 s9, $0x1;
	[sflag:s5] =	ssyncadd.s32 $0xFFFFFE00  }
0xd: {  	[tilespmem:s6], [sflag:$0x2] =	stream.indirect.gather [hbm4b:s3+s6], $0x20, s2, s6, $0xb8;
	[tilespmem:$0x4200] =	vst v63  }
0xe: {  	s11 =	simm.s32 $0x80;
	p0 =	sne.s32 s12, $0x1;
	_ =	swait.ge [sflag:s7], $0x4000  }
.Ltmp0:
0xf: {  	s9 =	simm.s32 $0x20;
	[sflag:s7] =	ssyncset.done $0x0;
	(pc) =	sbr.rel @!p0 .LBB2_2-.Ltmp0, $4  }
0x10: {  	s8 =	sadd.s32 $0x4, s10;
	s10 =	simm.s32 $0x3;
	[sflag:s7] =	ssyncadd.s32 $0xFFFFC000  }
0x11: {  	[hbm4b:s8+s9] =	stream.strided.scatter [tilespmem:s6], [sflag:$0x3], $0x4000, s11, s9, $0x38;
	[tilespmem:$0x4200] =	vst v63  }
0x12: {  	_ =	swait.ge [sflag:s10], $0x4000  }
0x13: {  	s12 =	sadd.s32 $0xFFFFFFFF, s12;
	[sflag:s10] =	ssyncset.done $0x0  }
.LBB2_1:
0x14: {  	p0 =	sne.s32 s12, $0x1;
	s12 =	sadd.s32 $0xFFFFFFFF, s12;
	[sflag:s10] =	ssyncadd.s32 $0xFFFFC000  }
0x15: {  	[tilespmem:s2], [sflag:$0x1] =	stream.linear.gather [hbm4b:s4+s2], $0x200, $0x38;
	[tilespmem:$0x4200] =	vst v63  }
0x16: {  	_ =	swait.ge [sflag:s5], $0x200  }
0x17: {  	[sflag:s5] =	ssyncset.done $0x0  }
0x18: {  	[sflag:s5] =	ssyncadd.s32 $0xFFFFFE00  }
0x19: {  	[tilespmem:s6], [sflag:$0x2] =	stream.indirect.gather [hbm4b:s3+s6], $0x20, s2, s6, $0xb8;
	[tilespmem:$0x4200] =	vst v63  }
0x1a: {  	_ =	swait.ge [sflag:s7], $0x4000  }
.Ltmp1:
0x1b: {  	[sflag:s7] =	ssyncset.done $0x0;
	(pc) =	sbr.rel @p0 .LBB2_1-.Ltmp1, $4  }
0x1c: {  	[sflag:s7] =	ssyncadd.s32 $0xFFFFC000  }
0x1d: {  	[hbm4b:s8+s9] =	stream.strided.scatter [tilespmem:s6], [sflag:$0x3], $0x4000, s11, s9, $0x38;
	[tilespmem:$0x4200] =	vst v63  }
0x1e: {  	_ =	swait.ge [sflag:s10], $0x4000  }
0x1f: {  	[sflag:s10] =	ssyncset.done $0x0  }
.LBB2_2:
0x20: {  	[sflag:s10] =	ssyncadd.s32 $0xFFFFC000  }
0x21: {  	_ =	sfence.sel $0x180000  }
0x22: {  	[bflag:$0x0] =	sbarrier.arrive $0xFFFF  }
0x23: {  	p0 =	sne.s32 s1, $0x0;
	_ =	strace $0x9000004A  }
0x24: {  	s0 =	sadd.s32 @!p0 $0x100000, s0;
	[bflag:$0x2] =	sbarrier.arrive $0xFFFF  }
0x25: {  	[sflag:s0] =	ssyncadd.tile.s32 @!p0 $0x1;
	_ =	shalt  }
.Lfunc_end2:
_tile_overlayer_lowered:
.L_overlay_start_2:
0x26: {  	(tag) =	ssettag $0x2  }
0x27: {  	s0 =	rddreg [dreg:$0x0];
	s2 =	stileid.u32  }
0x28: {  	s1 =	rddreg [dreg:$0x1];
	p0 =	sne.s32 s2, $0x0  }
0x29: {  	s3 =	rddreg [dreg:$0x2];
	[bflag:$0x3] =	sbarrier.arrive $0xFFFF;
	s2 =	simm.s32 @!p0 $0x1C04  }
0x2a: {  	[timem:s3], [sflag:s2] =	dma.local @!p0 [hbm:s0], s1  }
0x2b: {  	s0 =	simm.s32 @!p0 $0x4  }
0x2c: {  	_ =	swait.ge @!p0 [sflag:s0], s1  }
0x2d: {  	s1 =	ssub.s32 @!p0 $0x0, s1;
	[sflag:s0] =	ssyncset.done @!p0 $0x0  }
0x2e: {  	[sflag:s0] =	ssyncadd.s32 @!p0 s1  }
0x2f: {  	[bflag:$0x3] =	sbarrier.arrive $0xFFFF  }
0x30: {  	_ =	shalt  }

// kernel: hgnn_bands_3.3.cloned.1.call-start
scs
__scs_entry_jumppad:
0x0: {  	(pc) =	sbr.rel $0x88, $3  }
0x1: {  	(tag) =	ssettag $0x0;
	lr =	simm.s32 $0x1  }
0x2: {  	[smem:$0x3F99] =	sst lr;
	_ =	strace $0xD0000000  }
0x3: {  	_ = 	snop  }
0x4: {  	_ = 	snop  }
0x5: {  	_ = 	snop  }
0x6: {  	_ = 	snop  }
0x7: {  	_ = 	snop  }
__scs_overlays_trampoline_lowered:
0x8: {  	[smem:$0x3FA8] =	sst s0  }
0x9: {  	[smem:$0x3FA9] =	sst s1  }
0xa: {  	[smem:$0x3FAA] =	sst s2  }
0xb: {  	[smem:$0x3FAB] =	sst s3  }
0xc: {  	[smem:$0x3FAC] =	sst s4  }
0xd: {  	[smem:$0x3FAD] =	sst s5  }
0xe: {  	[smem:$0x3FAE] =	sst s6  }
0xf: {  	[smem:$0x3FAF] =	sst s7  }
0x10: {  	[smem:$0x3FB0] =	sst s8  }
0x11: {  	[smem:$0x3FB1] =	sst s9;
	s0 =	simm.s32 @!p0 $0x0  }
0x12: {  	s1 =	sld [smem:$0x3F97];
	s0 =	simm.s32 @p0 $0x1  }
0x13: {  	[smem:$0x3FB2] =	sst s0;
	s0 =	simm.s32 @!p1 $0x0  }
0x14: {  	s2 =	sld [smem:$0x3F96];
	s0 =	simm.s32 @p1 $0x1  }
0x15: {  	[smem:$0x3FB3] =	sst s0;
	s0 =	simm.s32 @!p2 $0x0  }
0x16: {  	s3 =	sld [smem:$0x3FDB];
	s0 =	simm.s32 @p2 $0x1  }
0x17: {  	s4 =	simm.s32 $0x1BF5;
	[smem:$0x3FB5] =	sst s0  }
0x18: {  	s0 =	sld [smem:$0x3F98];
	_ =	swait.ge [sflag:s4], $0x0  }
0x19: {  	s7 =	sld [smem:$0x3F99]  }
0x1a: {  	s8 =	sadd.s32 $0xFFFFE003, lr  }
0x1b: {  	s9 =	sadd.s32 $0xFFFFFEF7, lr;
	s5 =	simm.s32 $0xFFFFFFFF;
	p2 =	slt.u32 s8, $0xFFFFF086  }
0x1c: {  	p1 =	slt.u32 s9, $0xF7A;
	s5 =	simm.s32 @!p2 $0x0  }
0x1d: {  	s5 =	simm.s32 @p1 $0x1;
	p0 =	seq.s32 s7, s2  }
0x1e: {  	s7 =	smul.u32 @!p0 $0xF7A, s2;
	p2 =	seq.s32 @!p0 s5, $0x0  }
0x1f: {  	s9 =	smul.u32 $0xF7A, s1;
	s8 =	simm.s32 @!p0 $0x1BF5;
	p2 =	por !p2, p0  }
0x20: {  	[sflag:s8] =	ssyncset.s32 @!p0 $0xFFFFF086;
	s6 =	sadd.s32 @!p0 s3, s7;
	s7 =	simm.s32 @!p0 $0x108  }
0x21: {  	s3 =	sadd.s32 s3, s9;
	s6 =	sadd.s32 @!p0 $0x88, s6;
	s7 =	simm.s32 @p2 $0x1082  }
0x22: {  	[simem:s7], [sflag:s8] =	dma.local @!p0 [hbm:s6], $0xF7A  }
0x23: {  	s9 =	sor.u32 $0xD0000000, s2;
	s6 =	simm.s32 $0x108;
	_ =	swait.ge @!p0 [sflag:s8], $0x0  }
0x24: {  	s3 =	sadd.s32 $0x88, s3;
	s6 =	simm.s32 @!p1 $0x1082;
	[sflag:s4] =	ssyncset.s32 $0xFFFFF086  }
0x25: {  	[simem:s6], [sflag:s4] =	dma.local [hbm:s3], $0xF7A  }
0x26: {  	[smem:$0x3F99] =	sst s1;
	(tag) =	ssettag s2;
	_ =	strace s9  }
0x27: {  	s1 =	sld [smem:$0x3FA9]  }
0x28: {  	s2 =	sld [smem:$0x3FAA]  }
0x29: {  	s4 =	sld [smem:$0x3FAC]  }
0x2a: {  	p0 =	seq.s32 s5, $0x0;
	s5 =	sld [smem:$0x3FAD]  }
0x2b: {  	s6 =	sld [smem:$0x3FAE]  }
0x2c: {  	s7 =	sld [smem:$0x3FAF]  }
0x2d: {  	s3 =	simm.s32 $0x108;
	s8 =	sld [smem:$0x3FB0]  }
0x2e: {  	s3 =	simm.s32 @!p0 $0x1082;
	s9 =	sld [smem:$0x3FB1]  }
0x2f: {  	lr =	sadd.s32 s0, s3;
	s0 =	sld [smem:$0x3FA8]  }
0x30: {  	s3 =	sld [smem:$0x3FAB]  }
0x31: {  	[smem:$0x3FB4] =	sst s10  }
0x32: {  	s10 =	sld [smem:$0x3FB2];
	_ =	sdelay $0x3  }
0x33: {  	p0 =	seq.s32 s10, $0x1;
	s10 =	sld [smem:$0x3FB4];
	_ =	sdelay $0x3  }
0x34: {  	[smem:$0x3FB4] =	sst s10  }
0x35: {  	s10 =	sld [smem:$0x3FB3];
	_ =	sdelay $0x3  }
0x36: {  	p1 =	seq.s32 s10, $0x1;
	s10 =	sld [smem:$0x3FB4];
	_ =	sdelay $0x3  }
0x37: {  	[smem:$0x3FB4] =	sst s10  }
0x38: {  	s10 =	sld [smem:$0x3FB5]  }
0x39: {  	_ = 	snop;
	(pc) =	sbr.ind lr, $3  }
0x3a: {  	_ = 	snop  }
0x3b: {  	_ = 	snop  }
0x3c: {  	p2 =	seq.s32 s10, $0x1;
	s10 =	sld [smem:$0x3FB4]  }
0x3d: {  	_ =	shalt  }
0x3e: {  	_ =	shalt  }
0x3f: {  	_ =	shalt  }
0x40: {  	_ =	shalt  }
0x41: {  	_ =	shalt  }
0x42: {  	_ =	shalt  }
0x43: {  	_ =	shalt  }
0x44: {  	_ =	shalt  }
0x45: {  	_ =	shalt  }
0x46: {  	_ =	shalt  }
0x47: {  	_ =	shalt  }
0x48: {  	_ =	shalt  }
0x49: {  	_ =	shalt  }
0x4a: {  	_ =	shalt  }
0x4b: {  	_ =	shalt  }
0x4c: {  	_ =	shalt  }
0x4d: {  	_ =	shalt  }
0x4e: {  	_ =	shalt  }
0x4f: {  	_ =	shalt  }
0x50: {  	_ =	shalt  }
0x51: {  	_ =	shalt  }
0x52: {  	_ =	shalt  }
0x53: {  	_ =	shalt  }
0x54: {  	_ =	shalt  }
0x55: {  	_ =	shalt  }
0x56: {  	_ =	shalt  }
0x57: {  	_ =	shalt  }
0x58: {  	_ =	shalt  }
0x59: {  	_ =	shalt  }
0x5a: {  	_ =	shalt  }
0x5b: {  	_ =	shalt  }
0x5c: {  	_ =	shalt  }
0x5d: {  	_ =	shalt  }
0x5e: {  	_ =	shalt  }
0x5f: {  	_ =	shalt  }
0x60: {  	_ =	shalt  }
0x61: {  	_ =	shalt  }
0x62: {  	_ =	shalt  }
0x63: {  	_ =	shalt  }
0x64: {  	_ =	shalt  }
0x65: {  	_ =	shalt  }
0x66: {  	_ =	shalt  }
0x67: {  	_ =	shalt  }
0x68: {  	_ =	shalt  }
0x69: {  	_ =	shalt  }
0x6a: {  	_ =	shalt  }
0x6b: {  	_ =	shalt  }
0x6c: {  	_ =	shalt  }
0x6d: {  	_ =	shalt  }
0x6e: {  	_ =	shalt  }
0x6f: {  	_ =	shalt  }
0x70: {  	_ =	shalt  }
0x71: {  	_ =	shalt  }
0x72: {  	_ =	shalt  }
0x73: {  	_ =	shalt  }
0x74: {  	_ =	shalt  }
0x75: {  	_ =	shalt  }
0x76: {  	_ =	shalt  }
0x77: {  	_ =	shalt  }
0x78: {  	_ =	shalt  }
0x79: {  	_ =	shalt  }
0x7a: {  	_ =	shalt  }
0x7b: {  	_ =	shalt  }
0x7c: {  	_ =	shalt  }
0x7d: {  	_ =	shalt  }
0x7e: {  	_ =	shalt  }
0x7f: {  	_ =	shalt  }
0x80: {  	_ =	shalt  }
0x81: {  	_ =	shalt  }
0x82: {  	_ =	shalt  }
0x83: {  	_ =	shalt  }
0x84: {  	_ =	shalt  }
0x85: {  	_ =	shalt  }
0x86: {  	_ =	shalt  }
0x87: {  	_ =	shalt  }
.Lfunc_end0:
.L_simem_size_0:
called_computation.2_lowered:
.L_overlay_start_0:
0x88: {  	s2 =	sld [smem:$0x3FD9]  }
0x89: {  	s3 =	sld [smem:$0x3FFE];
	_ =	sdelay $0x1  }
0x8a: {  	s1 =	srdreg.scid  }
0x8b: {  	s0 =	sand.u32 $0x1, s1  }
0x8c: {  	s17 =	sshll.u32 s0, $0xA;
	s2 =	sadd.s32 s3, s2  }
0x8d: {  	s2 =	sadd.s32 s2, s17  }
0x8e: {  	[smem:$0x3FC0] =	sst s2  }
0x8f: {  	_ = 	snop  }
0x90: {  	s2 =	sld [smem:$0x3FC6]  }
0x91: {  	s18 =	sld [smem:$0x3FD0];
	(tm) =	ssettm $0x1  }
0x92: {  	s4 =	sld [smem:$0x3FFB];
	_ =	sdelay $0x3  }
0x93: {  	_ =	strace s4  }
0x94: {  	s4 =	sld [smem:$0x3FFC];
	_ =	sdelay $0x3  }
0x95: {  	_ =	strace s4  }
0x96: {  	s4 =	sld [smem:$0x3FFD];
	_ =	sdelay $0x3  }
0x97: {  	_ =	strace s4  }
0x98: {  	_ =	strace $0x8FFFFFFF  }
0x99: {  	s19 =	sld [smem:$0x3FDB];
	_ =	sdelay $0x1  }
0x9a: {  	s5 =	simm.s32 $_scs_section_size  }
0x9b: {  	s6 =	simm.s32 $_size__tile_overlayer_lowered;
	s7 =	simm.s32 $_tile_overlayer_lowered  }
0x9c: {  	s22 =	simm.s32 $0x1BFF;
	s21 =	sshll.u32 s7, $0x1;
	s4 =	sadd.s32 s5, s19  }
0x9d: {  	s8 =	simm.s32 $0x0;
	s20 =	sshll.u32 s6, $0x1;
	s6 =	sadd.s32 s21, s4  }
0x9e: {  	[timem:s8], [sflag:s22] =	dma.local [hbm:s6], s20  }
0x9f: {  	_ =	swait.ge [sflag:s22], s20  }
0xa0: {  	s5 =	ssub.s32 $0x0, s20;
	[sflag:s22] =	ssyncset.done $0x0  }
0xa1: {  	[sflag:s22] =	ssyncadd.s32 s5;
	_ =	sdelay $0x1  }
0xa2: {  	s23 =	simm.s32 $0x1B8B  }
0xa3: {  	_ =	swait.ge [sflag:s23], $0x1  }
0xa4: {  	[sflag:s23] =	ssyncset.done $0x0  }
0xa5: {  	s25 =	simm.s32 $0x1B8E;
	s24 =	sld [smem:$0x3FFE];
	[sflag:s23] =	ssyncadd.s32 $0xFFFFFFFF  }
0xa6: {  	s26 =	simm.s32 $execute0_lowered;
	[smem:$0x3FD2] =	sst s25  }
0xa7: {  	s6 =	sshll.u32 s26, $0x1;
	_ =	strace $0x8000004C;
	[dreg:$0x1] =	wrdreg $0xFFFFFFFF  }
0xa8: {  	s28 =	simm.s32 $_size_execute0_lowered;
	s4 =	sadd.s32 s4, s6;
	[dreg:$0x0] =	wrdreg $0x0  }
0xa9: {  	s6 =	sshll.u32 s28, $0x1;
	[dreg:$0x2] =	wrdreg s4  }
0xaa: {  	[dreg:$0x3] =	wrdreg s6  }
0xab: {  	[dreg:$0x4] =	wrdreg $0xC0  }
0xac: {  	_ =	task [dreg:s8], $0x5FFFF  }
0xad: {  	[dreg:$0x1] =	wrdreg $0xFFFFFFFF  }
0xae: {  	[dreg:$0x0] =	wrdreg $0x60  }
0xaf: {  	[dreg:$0x2] =	wrdreg s2  }
0xb0: {  	[dreg:$0x3] =	wrdreg s24  }
0xb1: {  	[dreg:$0x4] =	wrdreg s18  }
0xb2: {  	[dreg:$0x5] =	wrdreg $0x9  }
0xb3: {  	_ =	task.clear_ibuf [dreg:s8], $0x6FFFF;
	_ =	strace $0x9000004C  }
0xb4: {  	s29 =	simm.s32 $0x9;
	_ =	strace $0x8000004E  }
0xb5: {  	_ =	swait.ge [sflag:s29], $0x1  }
0xb6: {  	[sflag:s29] =	ssyncadd.s32 $0xFFFFFFFF  }
0xb7: {  	_ =	strace $0x9000004E  }
0xb8: {  	_ =	sfence  }
0xb9: {  	s30 =	sld [smem:$0x0];
	_ =	sdelay $0x2  }
0xba: {  	s31 =	sshll.u32 s1, $0xD;
	s1 =	sshrl.u32 s1, $0x2  }
0xbb: {  	s3 =	sand.u32 $0x4000, s31;
	s1 =	sadd.s32 s1, s30  }
0xbc: {  	s0 =	sor.u32 s3, s0;
	s1 =	sshll.u32 s1, $0x11  }
0xbd: {  	s0 =	sor.u32 s1, s0  }
0xbe: {  	s0 =	sadd.s32 $0x8F2B, s0  }
0xbf: {  	[sflag:s0] =	ssyncadd.remote.s32 $0x1  }
0xc0: {  	_ =	sfence.sel $0xFFFF  }
0xc1: {  	[dreg:$0x0] =	wrdreg $0xFFFFFFFF;
	(pc) =	sbr.abs _section_cstart, $3  }
0xc2: {  	[dreg:$0x1] =	wrdreg $0xFFFFFFFF  }
0xc3: {  	_ =	task.clear_ibuf [dreg:s8], $0x2FFFF;
	_ =	strace $0x9FFFFFFF  }
0xc4: {  	(tm) =	ssettm $0x7FFFFFFF  }
0xc5: {  	_ =	shalt  }
tec
execute0_lowered:
.L_overlay_start_1:
0x0: {  	(tag) =	ssettag $0x1  }
0x1: {  	s4 =	rddreg [dreg:$0x0]  }
0x2: {  	s3 =	rddreg [dreg:$0x1]  }
0x3: {  	s6 =	rddreg [dreg:$0x2];
	s2 =	srdreg.scid  }
0x4: {  	s0 =	rddreg [dreg:$0x3];
	s1 =	stileid.u32;
	s7 =	sand.u32 $0x1, s2  }
0x5: {  	s2 =	simm.s32 $0x0;
	s5 =	sshll.u32 s1, $0xA;
	s8 =	sshll.u32 s7, $0x9  }
0x6: {  	s3 =	sadd.s32 $0x1EB800, s3;
	[smem:$0x7FF] =	sst s2;
	s8 =	sor.u32 s8, s5  }
0x7: {  	s9 =	ssub.s32 $0x2, s7;
	s7 =	simm.s32 $0x2;
	s5 =	sshrl.u32 s8, $0x3  }
0x8: {  	_ =	strace $0x8000004D;
	s4 =	sadd.s32 s4, s5;
	s5 =	simm.s32 $0x1  }
0x9: {  	[tilespmem:s2], [sflag:$0x1] =	stream.linear.gather [hbm4b:s4+s2], $0x200, $0x38;
	[tilespmem:$0x4200] =	vst v63  }
0xa: {  	s31 =	sshrl.u32 s9, $0x1;
	s30 =	sshll.u32 s8, $0x4;
	_ =	swait.ge [sflag:s5], $0x200  }
0xb: {  	s9 =	ssub.s32 s9, s31;
	s10 =	sadd.s32 s30, s6;
	[sflag:s5] =	ssyncset.done $0x0  }
0xc: {  	s6 =	simm.s32 $0x200;
	s12 =	smax.u32 s9, $0x1;
	[sflag:s5] =	ssyncadd.s32 $0xFFFFFE00  }
0xd: {  	[tilespmem:s6], [sflag:$0x2] =	stream.indirect.gather [hbm4b:s3+s6], $0x20, s2, s6, $0xb8;
	[tilespmem:$0x4200] =	vst v63  }
0xe: {  	s11 =	simm.s32 $0x80;
	p0 =	sne.s32 s12, $0x1;
	_ =	swait.ge [sflag:s7], $0x4000  }
.Ltmp0:
0xf: {  	s9 =	simm.s32 $0x20;
	[sflag:s7] =	ssyncset.done $0x0;
	(pc) =	sbr.rel @!p0 .LBB2_2-.Ltmp0, $4  }
0x10: {  	s8 =	sadd.s32 $0xC, s10;
	s10 =	simm.s32 $0x3;
	[sflag:s7] =	ssyncadd.s32 $0xFFFFC000  }
0x11: {  	[hbm4b:s8+s9] =	stream.strided.scatter [tilespmem:s6], [sflag:$0x3], $0x4000, s11, s9, $0x38;
	[tilespmem:$0x4200] =	vst v63  }
0x12: {  	_ =	swait.ge [sflag:s10], $0x4000  }
0x13: {  	s12 =	sadd.s32 $0xFFFFFFFF, s12;
	[sflag:s10] =	ssyncset.done $0x0  }
.LBB2_1:
0x14: {  	p0 =	sne.s32 s12, $0x1;
	s12 =	sadd.s32 $0xFFFFFFFF, s12;
	[sflag:s10] =	ssyncadd.s32 $0xFFFFC000  }
0x15: {  	[tilespmem:s2], [sflag:$0x1] =	stream.linear.gather [hbm4b:s4+s2], $0x200, $0x38;
	[tilespmem:$0x4200] =	vst v63  }
0x16: {  	_ =	swait.ge [sflag:s5], $0x200  }
0x17: {  	[sflag:s5] =	ssyncset.done $0x0  }
0x18: {  	[sflag:s5] =	ssyncadd.s32 $0xFFFFFE00  }
0x19: {  	[tilespmem:s6], [sflag:$0x2] =	stream.indirect.gather [hbm4b:s3+s6], $0x20, s2, s6, $0xb8;
	[tilespmem:$0x4200] =	vst v63  }
0x1a: {  	_ =	swait.ge [sflag:s7], $0x4000  }
.Ltmp1:
0x1b: {  	[sflag:s7] =	ssyncset.done $0x0;
	(pc) =	sbr.rel @p0 .LBB2_1-.Ltmp1, $4  }
0x1c: {  	[sflag:s7] =	ssyncadd.s32 $0xFFFFC000  }
0x1d: {  	[hbm4b:s8+s9] =	stream.strided.scatter [tilespmem:s6], [sflag:$0x3], $0x4000, s11, s9, $0x38;
	[tilespmem:$0x4200] =	vst v63  }
0x1e: {  	_ =	swait.ge [sflag:s10], $0x4000  }
0x1f: {  	[sflag:s10] =	ssyncset.done $0x0  }
.LBB2_2:
0x20: {  	[sflag:s10] =	ssyncadd.s32 $0xFFFFC000  }
0x21: {  	_ =	sfence.sel $0x180000  }
0x22: {  	[bflag:$0x0] =	sbarrier.arrive $0xFFFF  }
0x23: {  	p0 =	sne.s32 s1, $0x0;
	_ =	strace $0x9000004D  }
0x24: {  	s0 =	sadd.s32 @!p0 $0x100000, s0;
	[bflag:$0x2] =	sbarrier.arrive $0xFFFF  }
0x25: {  	[sflag:s0] =	ssyncadd.tile.s32 @!p0 $0x1;
	_ =	shalt  }
.Lfunc_end2:
_tile_overlayer_lowered:
.L_overlay_start_2:
0x26: {  	(tag) =	ssettag $0x2  }
0x27: {  	s0 =	rddreg [dreg:$0x0];
	s2 =	stileid.u32  }
0x28: {  	s1 =	rddreg [dreg:$0x1];
	p0 =	sne.s32 s2, $0x0  }
0x29: {  	s3 =	rddreg [dreg:$0x2];
	[bflag:$0x3] =	sbarrier.arrive $0xFFFF;
	s2 =	simm.s32 @!p0 $0x1C04  }
0x2a: {  	[timem:s3], [sflag:s2] =	dma.local @!p0 [hbm:s0], s1  }
0x2b: {  	s0 =	simm.s32 @!p0 $0x4  }
0x2c: {  	_ =	swait.ge @!p0 [sflag:s0], s1  }
0x2d: {  	s1 =	ssub.s32 @!p0 $0x0, s1;
	[sflag:s0] =	ssyncset.done @!p0 $0x0  }
0x2e: {  	[sflag:s0] =	ssyncadd.s32 @!p0 s1  }
0x2f: {  	[bflag:$0x3] =	sbarrier.arrive $0xFFFF  }
0x30: {  	_ =	shalt  }

</sc_bundles>
